<compile_context>
chip_gen: v7x
topology: tpu7x:2x2x1
jax: 0.10.2.dev20260603
libtpu: 0.0.44.dev20260713+nightly
codegen_flags: <defaults>
</compile_context>

<pallas_src>
import functools

import jax
import jax.numpy as jnp
from jax import lax
from jax.experimental import pallas as pl
from jax.experimental.pallas import tpu as pltpu
from jax.experimental.pallas import tpu_sc as plsc

N_NODE = 50000
N_PAD = 50048
K_SAMPLE = 5000
K_PAD = 5008
E_EDGE = 1600000
NC = 2
NS = 16
NW = NC * NS
E_PER_W = E_EDGE // NW
WIN = 2000
NWIN = E_PER_W // WIN
VPW = WIN // 16


def _pre_body(w_hbm, upd_hbm, wbin, uout):
    c = lax.axis_index("c")
    s = lax.axis_index("s")
    wid = s * NC + c

    def win_body(w, _):
        wb = wid * E_PER_W + w * WIN
        pltpu.sync_copy(w_hbm.at[pl.ds(wb, WIN)], wbin)

        def vec_body(it, _):
            wv = wbin[pl.ds(it * 16, 16)]
            uout[pl.ds(it * 16, 16)] = wv * wv
            return 0
        lax.fori_loop(0, VPW, vec_body, 0)

        pltpu.sync_copy(uout, upd_hbm.at[pl.ds(wb, WIN)])
        return 0
    lax.fori_loop(0, NWIN, win_body, 0)


@jax.jit
def _pre_stage(edge_weight):
    mesh = plsc.VectorSubcoreMesh(core_axis_name="c", subcore_axis_name="s")
    f = functools.partial(
        pl.kernel,
        mesh=mesh,
        compiler_params=pltpu.CompilerParams(needs_layout_passes=False),
        out_type=jax.ShapeDtypeStruct((E_EDGE,), jnp.float32),
        scratch_types=[
            pltpu.VMEM((WIN,), jnp.float32),
            pltpu.VMEM((WIN,), jnp.float32),
        ],
    )(_pre_body)
    return f(edge_weight)


def _edge_body(idx_hbm, prob_hbm, src_hbm, dst_hbm, w_hbm, oel_hbm, ow_hbm,
               mtab, ptab, idxb, esrc, edst, eout, wbin, wbout):
    c = lax.axis_index("c")
    s = lax.axis_index("s")
    wid = s * NC + c

    iota = lax.iota(jnp.int32, 16)
    zeros16 = jnp.zeros((16,), jnp.int32)
    ones16 = jnp.ones((16,), jnp.int32)

    pltpu.sync_copy(idx_hbm, idxb.at[pl.ds(0, K_SAMPLE)])
    tail = idxb[pl.ds(K_PAD - 16, 16)]
    idxb[pl.ds(K_PAD - 16, 16)] = jnp.where(iota < 8, tail, N_NODE)

    def zero_body(i, _):
        mtab[pl.ds(i * 16, 16)] = zeros16
        return 0
    lax.fori_loop(0, N_PAD // 16, zero_body, 0)

    pltpu.sync_copy(prob_hbm, ptab.at[pl.ds(0, N_NODE)])

    def scat_body(i, _):
        iv = idxb[pl.ds(i * 16, 16)]
        plsc.store_scatter(mtab, [iv], ones16)
        return 0
    lax.fori_loop(0, K_PAD // 16, scat_body, 0)

    def cum_body(i, carry):
        v = mtab[pl.ds(i * 16, 16)]
        cs = plsc.cumsum(v)
        mtab[pl.ds(i * 16, 16)] = jnp.where(v > 0, cs + carry - 1, -1)
        return carry + jnp.sum(v)
    lax.fori_loop(0, N_NODE // 16, cum_body, jnp.int32(0))

    def win_body(w, _):
        wb = wid * E_PER_W + w * WIN
        gb = 2 * wb
        pltpu.sync_copy(src_hbm.at[pl.ds(wb, WIN)], esrc)
        pltpu.sync_copy(dst_hbm.at[pl.ds(wb, WIN)], edst)
        pltpu.sync_copy(w_hbm.at[pl.ds(wb, WIN)], wbin)

        def vec_body(it, _):
            src = esrc[pl.ds(it * 16, 16)]
            dst = edst[pl.ds(it * 16, 16)]
            m0 = plsc.load_gather(mtab, [src])
            m1 = plsc.load_gather(mtab, [dst])
            p1 = plsc.load_gather(ptab, [dst])
            valid = (m0 >= 0) & (m1 >= 0)
            o0 = jnp.where(valid, m0, -1)
            o1 = jnp.where(valid, m1, -1)
            wv = wbin[pl.ds(it * 16, 16)]
            denom = (5000.0 * p1) / 50000.0
            nw = jnp.where(valid, wv / denom, 0.0)
            b32 = it * 32
            plsc.store_scatter(eout, [b32 + 2 * iota], o0)
            plsc.store_scatter(eout, [b32 + 2 * iota + 1], o1)
            wbout[pl.ds(it * 16, 16)] = nw
            return 0
        lax.fori_loop(0, VPW, vec_body, 0)

        pltpu.sync_copy(eout, oel_hbm.at[pl.ds(gb, 2 * WIN)])
        pltpu.sync_copy(wbout, ow_hbm.at[pl.ds(wb, WIN)])
        return 0
    lax.fori_loop(0, NWIN, win_body, 0)


@jax.jit
def _edge_stage(index, prob, src, dst, edge_weight):
    mesh = plsc.VectorSubcoreMesh(core_axis_name="c", subcore_axis_name="s")
    f = functools.partial(
        pl.kernel,
        mesh=mesh,
        compiler_params=pltpu.CompilerParams(needs_layout_passes=False),
        out_type=(
            jax.ShapeDtypeStruct((2 * E_EDGE,), jnp.int32),
            jax.ShapeDtypeStruct((E_EDGE,), jnp.float32),
        ),
        scratch_types=[
            pltpu.VMEM((N_PAD,), jnp.int32),
            pltpu.VMEM((N_PAD,), jnp.float32),
            pltpu.VMEM((K_PAD,), jnp.int32),
            pltpu.VMEM((WIN,), jnp.int32),
            pltpu.VMEM((WIN,), jnp.int32),
            pltpu.VMEM((2 * WIN,), jnp.int32),
            pltpu.VMEM((WIN,), jnp.float32),
            pltpu.VMEM((WIN,), jnp.float32),
        ],
    )(_edge_body)
    return f(index, prob, src, dst, edge_weight)


def kernel(edge_weight, edge_list, num_node):
    budget = 5000
    N = N_NODE
    num_sample = min(N, budget)
    src = edge_list[:, 0]
    dst = edge_list[:, 1]
    upd = _pre_stage(edge_weight)
    prob = jnp.zeros((N,), dtype=edge_weight.dtype).at[dst].add(upd)
    prob = prob / jnp.mean(prob)
    skey = jax.random.key(42)
    u = jax.random.uniform(skey, (N,), minval=1e-20, maxval=1.0)
    gumbel = -jnp.log(-jnp.log(u))
    _, index = jax.lax.top_k(jnp.log(jnp.maximum(prob, 1e-30)) + gumbel, num_sample)

    oel, ow = _edge_stage(index, prob, src, dst, edge_weight)
    return index, oel.reshape(E_EDGE, 2), ow

# --- scband reference (transcript-rebuilt; emitter-appended) ---
"""Pipeline reference for scband-node-sampler-48876727828777 (READ-ONLY COPY).

The authoritative reference and input builder live on the scoring server;
editing this copy changes nothing except your own understanding.
"""

import jax, jax.numpy as jnp
import numpy as np


def setup_inputs(seed: int = 0) -> dict:
    key = jax.random.key(seed)
    k1, k2 = jax.random.split(key)
    N = 50000
    E = 1600000
    edge_list = jax.random.randint(k1, (E, 2), 0, N, dtype=jnp.int32)
    edge_weight = jax.random.uniform(k2, (E,), dtype=jnp.float32)
    return {"edge_weight": edge_weight, "edge_list": edge_list, "num_node": N}


def reference(edge_weight, edge_list, num_node):
    budget = 5000
    N = 50000
    num_sample = min(N, budget)
    node_out_all = edge_list[:, 1]
    # prob = scatter_add(edge_weight ** 2, edge_list[:, 1], dim_size=num_node)
    prob = jnp.zeros((N,), dtype=edge_weight.dtype).at[node_out_all].add(edge_weight ** 2)
    prob = prob / jnp.mean(prob)
    # multinomial(prob, num_sample) without replacement via the Gumbel top-k trick
    skey = jax.random.key(42)
    u = jax.random.uniform(skey, (N,), minval=1e-20, maxval=1.0)
    gumbel = -jnp.log(-jnp.log(u))
    _, index = jax.lax.top_k(jnp.log(jnp.maximum(prob, 1e-30)) + gumbel, num_sample)
    # graph.node_mask(index): keep edges whose both endpoints are sampled, remap node ids
    node_mask = jnp.zeros((N,), dtype=bool).at[index].set(True)
    edge_mask = node_mask[edge_list[:, 0]] & node_mask[edge_list[:, 1]]
    mapping = jnp.cumsum(node_mask.astype(jnp.int32)) - 1
    new_edge_list = jnp.where(edge_mask[:, None], mapping[edge_list], -1)
    # new_graph._edge_weight /= num_sample * prob[node_out] / graph.num_node
    denom = num_sample * prob[node_out_all] / num_node
    new_edge_weight = jnp.where(edge_mask, edge_weight / denom, 0.0)
    return index, new_edge_list, new_edge_weight

if __name__ == "__main__":
    import jax
    _d = setup_inputs()
    print(jax.jit(kernel)(*tuple(_d.values())))

</pallas_src>

<mosaic_0001>
#map = affine_map<(d0, d1) -> (0)>
module attributes {stable_mosaic.version = 14 : i64} {
  func.func @_pre_body(%arg0: i32, %arg1: i32, %arg2: memref<1600000xf32, #tpu.memory_space<hbm>>, %arg3: memref<1600000xf32, #tpu.memory_space<hbm>>, %arg4: memref<2000xf32, #tpu.memory_space<vmem>>, %arg5: memref<2000xf32, #tpu.memory_space<vmem>>) attributes {dimension_semantics = [#tpu.dimension_semantics<core_parallel>, #tpu.dimension_semantics<subcore_parallel>], iteration_bounds = array<i64: 2, 16>, scalar_prefetch = 0 : i64, scratch_operands = 2 : i64, tpu.core_type = #tpu.core_type<sc_vector_subcore>, window_params = [{transform_indices = #map}, {transform_indices = #map}]} {
    %mul3A = arith.constant 2 : i32
    %mul3A_0 = arith.muli %arg1, %mul3A : i32
    %add3A = arith.addi %mul3A_0, %arg0 : i32
    %scan3A = arith.constant 0 : i32
    %scan3A_1 = arith.constant 0 : i32
    %scan3A_2 = arith.constant 25 : i32
    %scan3A_3 = arith.addi %scan3A_1, %scan3A_2 : i32
    %scan3A_4 = arith.constant 1 : i32
    %scan3A_5 = scf.for %scan3A_7 = %scan3A_1 to %scan3A_3 step %scan3A_4 iter_args(%scan3A_8 = %scan3A) -> (i32)  : i32 {
      %mul3A_9 = arith.constant 50000 : i32
      %mul3A_10 = arith.muli %add3A, %mul3A_9 : i32
      %mul3A_11 = arith.constant 2000 : i32
      %mul3A_12 = arith.muli %scan3A_7, %mul3A_11 : i32
      %add3A_13 = arith.addi %mul3A_10, %mul3A_12 : i32
      "tpu.region"() ({
        %run_scoped3A = tpu.sem_alloc : memref<!tpu.dma_semaphore, #tpu.memory_space<semaphore_mem>>
        %dma_start3A = tpu.memref_slice %arg2[%add3A_13] : memref<1600000xf32, #tpu.memory_space<hbm>> -> memref<2000xf32, #tpu.memory_space<hbm>>
        %dma_start3A_22 = tpu.memref_slice %arg2[%add3A_13] : memref<1600000xf32, #tpu.memory_space<hbm>> -> memref<2000xf32, #tpu.memory_space<hbm>>
        tpu.enqueue_dma source(%dma_start3A_22 : memref<2000xf32, #tpu.memory_space<hbm>>) target(%arg4 : memref<2000xf32, #tpu.memory_space<vmem>>) target_semaphore(%run_scoped3A : memref<!tpu.dma_semaphore, #tpu.memory_space<semaphore_mem>>)
        %dma_wait3A = tpu.memref_slice %arg2[%add3A_13] : memref<1600000xf32, #tpu.memory_space<hbm>> -> memref<2000xf32, #tpu.memory_space<hbm>>
        %dma_wait3A_23 = tpu.memref_slice %arg2[%add3A_13] : memref<1600000xf32, #tpu.memory_space<hbm>> -> memref<2000xf32, #tpu.memory_space<hbm>>
        tpu.wait_dma2 semaphore(%run_scoped3A : memref<!tpu.dma_semaphore, #tpu.memory_space<semaphore_mem>>) src(%dma_wait3A_23 : memref<2000xf32, #tpu.memory_space<hbm>>) dst(%arg4 : memref<2000xf32, #tpu.memory_space<vmem>>)
        tpu.yield
      }) : () -> ()
      %scan3A_14 = arith.constant 0 : i32
      %scan3A_15 = arith.constant 0 : i32
      %scan3A_16 = arith.constant 125 : i32
      %scan3A_17 = arith.addi %scan3A_15, %scan3A_16 : i32
      %scan3A_18 = arith.constant 1 : i32
      %scan3A_19 = scf.for %scan3A_22 = %scan3A_15 to %scan3A_17 step %scan3A_18 iter_args(%scan3A_23 = %scan3A_14) -> (i32)  : i32 {
        %mul3A_24 = arith.constant 16 : i32
        %mul3A_25 = arith.muli %scan3A_22, %mul3A_24 : i32
        %get3A = arith.index_cast %mul3A_25 : i32 to index
        %get3A_26 = tpu.vector_load %arg4[%get3A] {strides = array<i32>} : memref<2000xf32, #tpu.memory_space<vmem>>, vector<16xf32>,
        %mul3A_27 = arith.mulf %get3A_26, %get3A_26 : vector<16xf32>
        %mul3A_28 = arith.constant 16 : i32
        %mul3A_29 = arith.muli %scan3A_22, %mul3A_28 : i32
        %swap3A = arith.index_cast %mul3A_29 : i32 to index
        %swap3A_30 = tpu.vector_load %arg5[%swap3A] {strides = array<i32>} : memref<2000xf32, #tpu.memory_space<vmem>>, vector<16xf32>,
        tpu.vector_store %arg5[%swap3A], %mul3A_27 {strides = array<i32>} : memref<2000xf32, #tpu.memory_space<vmem>>, vector<16xf32>,
        %scan3A_31 = arith.constant 0 : i32
        scf.yield %scan3A_31 : i32
      }
      %scan3A_20 = arith.constant 125 : i32
      "tpu.region"() ({
        %run_scoped3A = tpu.sem_alloc : memref<!tpu.dma_semaphore, #tpu.memory_space<semaphore_mem>>
        %dma_start3A = tpu.memref_slice %arg3[%add3A_13] : memref<1600000xf32, #tpu.memory_space<hbm>> -> memref<2000xf32, #tpu.memory_space<hbm>>
        %dma_start3A_22 = tpu.memref_slice %arg3[%add3A_13] : memref<1600000xf32, #tpu.memory_space<hbm>> -> memref<2000xf32, #tpu.memory_space<hbm>>
        tpu.enqueue_dma source(%arg5 : memref<2000xf32, #tpu.memory_space<vmem>>) target(%dma_start3A_22 : memref<2000xf32, #tpu.memory_space<hbm>>) target_semaphore(%run_scoped3A : memref<!tpu.dma_semaphore, #tpu.memory_space<semaphore_mem>>)
        %dma_wait3A = tpu.memref_slice %arg3[%add3A_13] : memref<1600000xf32, #tpu.memory_space<hbm>> -> memref<2000xf32, #tpu.memory_space<hbm>>
        %dma_wait3A_23 = tpu.memref_slice %arg3[%add3A_13] : memref<1600000xf32, #tpu.memory_space<hbm>> -> memref<2000xf32, #tpu.memory_space<hbm>>
        tpu.wait_dma2 semaphore(%run_scoped3A : memref<!tpu.dma_semaphore, #tpu.memory_space<semaphore_mem>>) src(%arg5 : memref<2000xf32, #tpu.memory_space<vmem>>) dst(%dma_wait3A_23 : memref<2000xf32, #tpu.memory_space<hbm>>)
        tpu.yield
      }) : () -> ()
      %scan3A_21 = arith.constant 0 : i32
      scf.yield %scan3A_21 : i32
    }
    %scan3A_6 = arith.constant 25 : i32
    return
  }
}

</mosaic_0001>

<sc_bundles>
// kernel: _pre_stage.3.cloned.1.call-start
scs
__scs_entry_jumppad:
0x0: {  	(pc) =	sbr.rel $0x88, $3  }
0x1: {  	(tag) =	ssettag $0x0;
	lr =	simm.s32 $0x1  }
0x2: {  	[smem:$0x3FA0] =	sst lr;
	_ =	strace $0xD0000000  }
0x3: {  	_ = 	snop  }
0x4: {  	_ = 	snop  }
0x5: {  	_ = 	snop  }
0x6: {  	_ = 	snop  }
0x7: {  	_ = 	snop  }
__scs_overlays_trampoline_lowered:
0x8: {  	[smem:$0x3FAF] =	sst s0  }
0x9: {  	[smem:$0x3FB0] =	sst s1  }
0xa: {  	[smem:$0x3FB1] =	sst s2  }
0xb: {  	[smem:$0x3FB2] =	sst s3  }
0xc: {  	[smem:$0x3FB3] =	sst s4  }
0xd: {  	[smem:$0x3FB4] =	sst s5  }
0xe: {  	[smem:$0x3FB5] =	sst s6  }
0xf: {  	[smem:$0x3FB6] =	sst s7  }
0x10: {  	[smem:$0x3FB7] =	sst s8  }
0x11: {  	[smem:$0x3FB8] =	sst s9;
	s0 =	simm.s32 @!p0 $0x0  }
0x12: {  	s1 =	sld [smem:$0x3F9E];
	s0 =	simm.s32 @p0 $0x1  }
0x13: {  	[smem:$0x3FB9] =	sst s0;
	s0 =	simm.s32 @!p1 $0x0  }
0x14: {  	s2 =	sld [smem:$0x3F9D];
	s0 =	simm.s32 @p1 $0x1  }
0x15: {  	[smem:$0x3FBA] =	sst s0;
	s0 =	simm.s32 @!p2 $0x0  }
0x16: {  	s3 =	sld [smem:$0x3FDB];
	s0 =	simm.s32 @p2 $0x1  }
0x17: {  	s4 =	simm.s32 $0x1BF5;
	[smem:$0x3FBC] =	sst s0  }
0x18: {  	s0 =	sld [smem:$0x3F9F];
	_ =	swait.ge [sflag:s4], $0x0  }
0x19: {  	s7 =	sld [smem:$0x3FA0]  }
0x1a: {  	s8 =	sadd.s32 $0xFFFFE003, lr  }
0x1b: {  	s9 =	sadd.s32 $0xFFFFFEF7, lr;
	s5 =	simm.s32 $0xFFFFFFFF;
	p2 =	slt.u32 s8, $0xFFFFF086  }
0x1c: {  	p1 =	slt.u32 s9, $0xF7A;
	s5 =	simm.s32 @!p2 $0x0  }
0x1d: {  	s5 =	simm.s32 @p1 $0x1;
	p0 =	seq.s32 s7, s2  }
0x1e: {  	s7 =	smul.u32 @!p0 $0xF7A, s2;
	p2 =	seq.s32 @!p0 s5, $0x0  }
0x1f: {  	s9 =	smul.u32 $0xF7A, s1;
	s8 =	simm.s32 @!p0 $0x1BF5;
	p2 =	por !p2, p0  }
0x20: {  	[sflag:s8] =	ssyncset.s32 @!p0 $0xFFFFF086;
	s6 =	sadd.s32 @!p0 s3, s7;
	s7 =	simm.s32 @!p0 $0x108  }
0x21: {  	s3 =	sadd.s32 s3, s9;
	s6 =	sadd.s32 @!p0 $0x88, s6;
	s7 =	simm.s32 @p2 $0x1082  }
0x22: {  	[simem:s7], [sflag:s8] =	dma.local @!p0 [hbm:s6], $0xF7A  }
0x23: {  	s9 =	sor.u32 $0xD0000000, s2;
	s6 =	simm.s32 $0x108;
	_ =	swait.ge @!p0 [sflag:s8], $0x0  }
0x24: {  	s3 =	sadd.s32 $0x88, s3;
	s6 =	simm.s32 @!p1 $0x1082;
	[sflag:s4] =	ssyncset.s32 $0xFFFFF086  }
0x25: {  	[simem:s6], [sflag:s4] =	dma.local [hbm:s3], $0xF7A  }
0x26: {  	[smem:$0x3FA0] =	sst s1;
	(tag) =	ssettag s2;
	_ =	strace s9  }
0x27: {  	s1 =	sld [smem:$0x3FB0]  }
0x28: {  	s2 =	sld [smem:$0x3FB1]  }
0x29: {  	s4 =	sld [smem:$0x3FB3]  }
0x2a: {  	p0 =	seq.s32 s5, $0x0;
	s5 =	sld [smem:$0x3FB4]  }
0x2b: {  	s6 =	sld [smem:$0x3FB5]  }
0x2c: {  	s7 =	sld [smem:$0x3FB6]  }
0x2d: {  	s3 =	simm.s32 $0x108;
	s8 =	sld [smem:$0x3FB7]  }
0x2e: {  	s3 =	simm.s32 @!p0 $0x1082;
	s9 =	sld [smem:$0x3FB8]  }
0x2f: {  	lr =	sadd.s32 s0, s3;
	s0 =	sld [smem:$0x3FAF]  }
0x30: {  	s3 =	sld [smem:$0x3FB2]  }
0x31: {  	[smem:$0x3FBB] =	sst s10  }
0x32: {  	s10 =	sld [smem:$0x3FB9];
	_ =	sdelay $0x3  }
0x33: {  	p0 =	seq.s32 s10, $0x1;
	s10 =	sld [smem:$0x3FBB];
	_ =	sdelay $0x3  }
0x34: {  	[smem:$0x3FBB] =	sst s10  }
0x35: {  	s10 =	sld [smem:$0x3FBA];
	_ =	sdelay $0x3  }
0x36: {  	p1 =	seq.s32 s10, $0x1;
	s10 =	sld [smem:$0x3FBB];
	_ =	sdelay $0x3  }
0x37: {  	[smem:$0x3FBB] =	sst s10  }
0x38: {  	s10 =	sld [smem:$0x3FBC]  }
0x39: {  	_ = 	snop;
	(pc) =	sbr.ind lr, $3  }
0x3a: {  	_ = 	snop  }
0x3b: {  	_ = 	snop  }
0x3c: {  	p2 =	seq.s32 s10, $0x1;
	s10 =	sld [smem:$0x3FBB]  }
0x3d: {  	_ =	shalt  }
0x3e: {  	_ =	shalt  }
0x3f: {  	_ =	shalt  }
0x40: {  	_ =	shalt  }
0x41: {  	_ =	shalt  }
0x42: {  	_ =	shalt  }
0x43: {  	_ =	shalt  }
0x44: {  	_ =	shalt  }
0x45: {  	_ =	shalt  }
0x46: {  	_ =	shalt  }
0x47: {  	_ =	shalt  }
0x48: {  	_ =	shalt  }
0x49: {  	_ =	shalt  }
0x4a: {  	_ =	shalt  }
0x4b: {  	_ =	shalt  }
0x4c: {  	_ =	shalt  }
0x4d: {  	_ =	shalt  }
0x4e: {  	_ =	shalt  }
0x4f: {  	_ =	shalt  }
0x50: {  	_ =	shalt  }
0x51: {  	_ =	shalt  }
0x52: {  	_ =	shalt  }
0x53: {  	_ =	shalt  }
0x54: {  	_ =	shalt  }
0x55: {  	_ =	shalt  }
0x56: {  	_ =	shalt  }
0x57: {  	_ =	shalt  }
0x58: {  	_ =	shalt  }
0x59: {  	_ =	shalt  }
0x5a: {  	_ =	shalt  }
0x5b: {  	_ =	shalt  }
0x5c: {  	_ =	shalt  }
0x5d: {  	_ =	shalt  }
0x5e: {  	_ =	shalt  }
0x5f: {  	_ =	shalt  }
0x60: {  	_ =	shalt  }
0x61: {  	_ =	shalt  }
0x62: {  	_ =	shalt  }
0x63: {  	_ =	shalt  }
0x64: {  	_ =	shalt  }
0x65: {  	_ =	shalt  }
0x66: {  	_ =	shalt  }
0x67: {  	_ =	shalt  }
0x68: {  	_ =	shalt  }
0x69: {  	_ =	shalt  }
0x6a: {  	_ =	shalt  }
0x6b: {  	_ =	shalt  }
0x6c: {  	_ =	shalt  }
0x6d: {  	_ =	shalt  }
0x6e: {  	_ =	shalt  }
0x6f: {  	_ =	shalt  }
0x70: {  	_ =	shalt  }
0x71: {  	_ =	shalt  }
0x72: {  	_ =	shalt  }
0x73: {  	_ =	shalt  }
0x74: {  	_ =	shalt  }
0x75: {  	_ =	shalt  }
0x76: {  	_ =	shalt  }
0x77: {  	_ =	shalt  }
0x78: {  	_ =	shalt  }
0x79: {  	_ =	shalt  }
0x7a: {  	_ =	shalt  }
0x7b: {  	_ =	shalt  }
0x7c: {  	_ =	shalt  }
0x7d: {  	_ =	shalt  }
0x7e: {  	_ =	shalt  }
0x7f: {  	_ =	shalt  }
0x80: {  	_ =	shalt  }
0x81: {  	_ =	shalt  }
0x82: {  	_ =	shalt  }
0x83: {  	_ =	shalt  }
0x84: {  	_ =	shalt  }
0x85: {  	_ =	shalt  }
0x86: {  	_ =	shalt  }
0x87: {  	_ =	shalt  }
.Lfunc_end0:
.L_simem_size_0:
called_computation_lowered:
.L_overlay_start_0:
0x88: {  	s2 =	sld [smem:$0x3FD9]  }
0x89: {  	s3 =	sld [smem:$0x3FFE];
	_ =	sdelay $0x1  }
0x8a: {  	s1 =	srdreg.scid  }
0x8b: {  	s0 =	sand.u32 $0x1, s1  }
0x8c: {  	s18 =	sshll.u32 s0, $0xA;
	s2 =	sadd.s32 s3, s2  }
0x8d: {  	s2 =	sadd.s32 s2, s18  }
0x8e: {  	[smem:$0x3FC7] =	sst s2  }
0x8f: {  	_ = 	snop  }
0x90: {  	s2 =	sld [smem:$0x3FC9]  }
0x91: {  	s19 =	sld [smem:$0x3FD0];
	(tm) =	ssettm $0x1  }
0x92: {  	s4 =	sld [smem:$0x3FFB];
	_ =	sdelay $0x3  }
0x93: {  	_ =	strace s4  }
0x94: {  	s4 =	sld [smem:$0x3FFC];
	_ =	sdelay $0x3  }
0x95: {  	_ =	strace s4  }
0x96: {  	s4 =	sld [smem:$0x3FFD];
	_ =	sdelay $0x3  }
0x97: {  	_ =	strace s4  }
0x98: {  	_ =	strace $0x8FFFFFFF  }
0x99: {  	s20 =	sld [smem:$0x3FDB];
	_ =	sdelay $0x1  }
0x9a: {  	s5 =	simm.s32 $_scs_section_size  }
0x9b: {  	s6 =	simm.s32 $_size__tile_overlayer_lowered;
	s7 =	simm.s32 $_tile_overlayer_lowered  }
0x9c: {  	s23 =	simm.s32 $0x1BFF;
	s22 =	sshll.u32 s7, $0x1;
	s4 =	sadd.s32 s5, s20  }
0x9d: {  	s8 =	simm.s32 $0x0;
	s21 =	sshll.u32 s6, $0x1;
	s6 =	sadd.s32 s22, s4  }
0x9e: {  	[timem:s8], [sflag:s23] =	dma.local [hbm:s6], s21  }
0x9f: {  	_ =	swait.ge [sflag:s23], s21  }
0xa0: {  	s5 =	ssub.s32 $0x0, s21;
	[sflag:s23] =	ssyncset.done $0x0  }
0xa1: {  	[sflag:s23] =	ssyncadd.s32 s5;
	_ =	sdelay $0x1  }
0xa2: {  	s24 =	simm.s32 $0x1B8B  }
0xa3: {  	_ =	swait.ge [sflag:s24], $0x1  }
0xa4: {  	[sflag:s24] =	ssyncset.done $0x0  }
0xa5: {  	s25 =	simm.s32 $0x1B8E;
	[sflag:s24] =	ssyncadd.s32 $0xFFFFFFFF  }
0xa6: {  	s26 =	simm.s32 $execute0_lowered;
	[smem:$0x3FD2] =	sst s25  }
0xa7: {  	s5 =	sshll.u32 s26, $0x1;
	_ =	strace $0x80000046;
	[dreg:$0x1] =	wrdreg $0xFFFFFFFF  }
0xa8: {  	s28 =	simm.s32 $_size_execute0_lowered;
	s4 =	sadd.s32 s4, s5;
	[dreg:$0x0] =	wrdreg $0x0  }
0xa9: {  	s5 =	sshll.u32 s28, $0x1;
	[dreg:$0x2] =	wrdreg s4  }
0xaa: {  	[dreg:$0x3] =	wrdreg s5  }
0xab: {  	[dreg:$0x4] =	wrdreg $0xC0  }
0xac: {  	_ =	task [dreg:s8], $0x5FFFF  }
0xad: {  	[dreg:$0x1] =	wrdreg $0xFFFFFFFF  }
0xae: {  	[dreg:$0x0] =	wrdreg $0x60  }
0xaf: {  	[dreg:$0x2] =	wrdreg s2  }
0xb0: {  	[dreg:$0x3] =	wrdreg s19  }
0xb1: {  	[dreg:$0x4] =	wrdreg $0x9  }
0xb2: {  	_ =	task.clear_ibuf [dreg:s8], $0x5FFFF;
	_ =	strace $0x90000046  }
0xb3: {  	s29 =	simm.s32 $0x9;
	_ =	strace $0x80000048  }
0xb4: {  	_ =	swait.ge [sflag:s29], $0x1  }
0xb5: {  	[sflag:s29] =	ssyncadd.s32 $0xFFFFFFFF  }
0xb6: {  	_ =	strace $0x90000048  }
0xb7: {  	_ =	sfence  }
0xb8: {  	s30 =	sld [smem:$0x0];
	_ =	sdelay $0x2  }
0xb9: {  	s31 =	sshll.u32 s1, $0xD;
	s1 =	sshrl.u32 s1, $0x2  }
0xba: {  	s3 =	sand.u32 $0x4000, s31;
	s1 =	sadd.s32 s1, s30  }
0xbb: {  	s0 =	sor.u32 s3, s0;
	s1 =	sshll.u32 s1, $0x11  }
0xbc: {  	s0 =	sor.u32 s1, s0  }
0xbd: {  	s0 =	sadd.s32 $0x8F2B, s0  }
0xbe: {  	[sflag:s0] =	ssyncadd.remote.s32 $0x1  }
0xbf: {  	_ =	sfence.sel $0xFFFF  }
0xc0: {  	[dreg:$0x0] =	wrdreg $0xFFFFFFFF;
	(pc) =	sbr.abs _section_cstart, $3  }
0xc1: {  	[dreg:$0x1] =	wrdreg $0xFFFFFFFF  }
0xc2: {  	_ =	task.clear_ibuf [dreg:s8], $0x2FFFF;
	_ =	strace $0x9FFFFFFF  }
0xc3: {  	(tm) =	ssettm $0x7FFFFFFF  }
tec
execute0_lowered:
.L_overlay_start_1:
0x0: {  	(tag) =	ssettag $0x1  }
0x1: {  	s1 =	rddreg [dreg:$0x0];
	s0 =	srdreg.scid  }
0x2: {  	s3 =	rddreg [dreg:$0x1];
	s2 =	stileid.u32  }
0x3: {  	s4 =	simm.s32 $0x0;
	s9 =	simm.s32 $0x0;
	s5 =	sand.u32 $0x1, s0  }
0x4: {  	s0 =	rddreg [dreg:$0x2];
	s8 =	sshll.u32 s2, $0x1;
	s6 =	ssub.s32 $0x2, s5  }
0x5: {  	[smem:$0x7FF] =	sst s4;
	s5 =	sor.u32 s5, s8;
	s7 =	sshrl.u32 s6, $0x1  }
0x6: {  	_ =	strace $0x80000047;
	s8 =	simm.s32 $0x800;
	s6 =	ssub.s32 s6, s7  }
0x7: {  	s5 =	smul.u32 $0xC350, s5;
	s7 =	simm.s32 $0x1;
	s6 =	smax.u32 s6, $0x1  }
.LBB2_1:
0x8: {  	s10 =	simm.s32 $0x0  }
.LBB2_2:
0x9: {  	s11 =	smul.u32 $0x7D0, s10;
	_ =	sdelay $0x1  }
0xa: {  	s11 =	sadd.s32 s5, s11  }
0xb: {  	s11 =	sshrl.u32 s11, $0x3  }
0xc: {  	s13 =	simm.s32 $0x0;
	s12 =	sadd.s32 s1, s11  }
0xd: {  	[tilespmem:s13], [sflag:$0x1] =	stream.linear.gather [hbm4b:s12+s13], $0x7D0, $0x38;
	[tilespmem:$0x1000] =	vst v63  }
0xe: {  	_ =	swait.ge [sflag:s7], $0x7D0  }
0xf: {  	[sflag:s7] =	ssyncset.done $0x0  }
0x10: {  	s12 =	simm.s32 $0x0;
	[sflag:s7] =	ssyncadd.s32 $0xFFFFF830  }
0x11: {  	v0 =	vld [tilespmem:s12+$0x0]  }
0x12: {  	s13 =	simm.s32 $0x40  }
.LBB2_3:
0x13: {  	p0 =	sne.s32 s13, $0x1F00  }
.Ltmp0:
0x14: {  	_ = 	snop;
	(pc) =	sbr.rel @p0 .LBB2_3-.Ltmp0, $4  }
0x15: {  	_ = 	snop  }
0x16: {  	s14 =	sshra.s32 s13, $0x2;
	s13 =	sadd.s32 $0x40, s13;
	v1 =	vmul.f32 v0, v0  }
0x17: {  	v0 =	vld [tilespmem:s14+$0x0]  }
0x18: {  	[tilespmem:s12+$0x800] =	vst v1;
	s12 =	smov.u32 s14  }
0x19: {  	_ =	sdelay $0x2  }
0x1a: {  	s10 =	sadd.s32 $0x1, s10;
	v0 =	vmul.f32 v0, v0  }
0x1b: {  	p0 =	sne.s32 s10, $0x19  }
.Ltmp1:
0x1c: {  	s11 =	sadd.s32 s3, s11;
	[tilespmem:s12+$0x800] =	vst v0;
	(pc) =	sbr.rel @p0 .LBB2_2-.Ltmp1, $4  }
0x1d: {  	[hbm4b:s11+s4] =	stream.linear.scatter [tilespmem:s8], [sflag:$0x1], $0x7D0, $0x38;
	[tilespmem:$0x1000] =	vst v63  }
0x1e: {  	_ =	swait.ge [sflag:s7], $0x7D0  }
0x1f: {  	[sflag:s7] =	ssyncset.done $0x0  }
0x20: {  	[sflag:s7] =	ssyncadd.s32 $0xFFFFF830  }
0x21: {  	s9 =	sadd.s32 $0x1, s9  }
0x22: {  	p0 =	sne.s32 s9, s6  }
.Ltmp2:
0x23: {  	_ = 	snop;
	(pc) =	sbr.rel @p0 .LBB2_1-.Ltmp2, $1  }
0x24: {  	_ =	sdelay $0x3  }
0x25: {  	_ =	sfence.sel $0x180000  }
0x26: {  	[bflag:$0x0] =	sbarrier.arrive $0xFFFF  }
0x27: {  	p0 =	sne.s32 s2, $0x0;
	_ =	strace $0x90000047  }
0x28: {  	s0 =	sadd.s32 @!p0 $0x100000, s0;
	[bflag:$0x2] =	sbarrier.arrive $0xFFFF  }
0x29: {  	[sflag:s0] =	ssyncadd.tile.s32 @!p0 $0x1;
	_ =	shalt  }
.Lfunc_end2:
_tile_overlayer_lowered:
.L_overlay_start_2:
0x2a: {  	(tag) =	ssettag $0x2  }
0x2b: {  	s0 =	rddreg [dreg:$0x0];
	s2 =	stileid.u32  }
0x2c: {  	s1 =	rddreg [dreg:$0x1];
	p0 =	sne.s32 s2, $0x0  }
0x2d: {  	s3 =	rddreg [dreg:$0x2];
	[bflag:$0x3] =	sbarrier.arrive $0xFFFF;
	s2 =	simm.s32 @!p0 $0x1C01  }
0x2e: {  	[timem:s3], [sflag:s2] =	dma.local @!p0 [hbm:s0], s1  }
0x2f: {  	s0 =	simm.s32 @!p0 $0x1  }
0x30: {  	_ =	swait.ge @!p0 [sflag:s0], s1  }
0x31: {  	s1 =	ssub.s32 @!p0 $0x0, s1;
	[sflag:s0] =	ssyncset.done @!p0 $0x0  }
0x32: {  	[sflag:s0] =	ssyncadd.s32 @!p0 s1  }
0x33: {  	[bflag:$0x3] =	sbarrier.arrive $0xFFFF  }
0x34: {  	_ =	shalt  }

</sc_bundles>
